<compile_context>
chip_gen: v7x
topology: tpu7x:2x2x1
jax: 0.10.2.dev20260603
libtpu: 0.0.44.dev20260713+nightly
codegen_flags: <defaults>
</compile_context>

<pallas_src>
import functools

import jax
import jax.numpy as jnp
from jax import lax
from jax.experimental import pallas as pl
from jax.experimental.pallas import tpu as pltpu
from jax.experimental.pallas import tpu_sc as plsc

N_EMBED = 8192
CODE_DIM = 32
BETA = 0.25
RESI_RATIO = 0.5

BATCH = 16
SEQ = 1024
TOKENS = BATCH * SEQ

SC_CORES = 2
SC_SUBCORES = 16
SC_WORKERS = SC_CORES * SC_SUBCORES
TOK_PER_WORKER = TOKENS // SC_WORKERS


def _sc_body(cn_hbm, idx_hbm, zq_hbm, hist_hbm, idx_v, rows_v, hist_v, sem):
    wid = lax.axis_index("s") * SC_CORES + lax.axis_index("c")
    base = wid * TOK_PER_WORKER
    pltpu.sync_copy(idx_hbm.at[pl.ds(base, TOK_PER_WORKER)], idx_v)
    gather = pltpu.async_copy(cn_hbm.at[idx_v], rows_v, sem)

    zeros16 = jnp.zeros((16,), jnp.float32)

    def _zero(i, carry):
        hist_v[pl.ds(i * 16, 16)] = zeros16
        return carry

    lax.fori_loop(0, N_EMBED // 16, _zero, 0)

    ones16 = jnp.ones((16,), jnp.float32)

    def _accum(i, carry):
        iv = idx_v[pl.ds(i * 16, 16)]
        plsc.addupdate_scatter(hist_v, [iv], ones16)
        return carry

    lax.fori_loop(0, TOK_PER_WORKER // 16, _accum, 0)

    gather.wait()
    pltpu.sync_copy(rows_v, zq_hbm.at[pl.ds(base, TOK_PER_WORKER)])
    pltpu.sync_copy(hist_v, hist_hbm.at[wid])


@functools.cache
def _sc_gather_hist():
    return pl.kernel(
        _sc_body,
        out_type=(
            jax.ShapeDtypeStruct((TOKENS, CODE_DIM), jnp.float32),
            jax.ShapeDtypeStruct((SC_WORKERS, N_EMBED), jnp.float32),
        ),
        mesh=plsc.VectorSubcoreMesh(
            core_axis_name="c", subcore_axis_name="s",
            num_cores=SC_CORES, num_subcores=SC_SUBCORES),
        scratch_types=[
            pltpu.VMEM((TOK_PER_WORKER,), jnp.int32),
            pltpu.VMEM((TOK_PER_WORKER, CODE_DIM), jnp.float32),
            pltpu.VMEM((N_EMBED,), jnp.float32),
            pltpu.SemaphoreType.DMA,
        ],
        compiler_params=pltpu.CompilerParams(
            needs_layout_passes=False, use_tc_tiling_on_sc=False),
    )


def _phi_body(zq_ref, z_ref, w_ref, b_ref, hist_ref,
              zqst_ref, loss_ref, cs_ref):
    step = pl.program_id(0)
    h_raw = zq_ref[...]
    h = h_raw / (jnp.sqrt(jnp.sum(h_raw * h_raw, axis=1, keepdims=True)) + 1e-12)
    zero_row = jnp.zeros((1, CODE_DIM), jnp.float32)
    prev = jnp.concatenate([zero_row, h[:-1, :]], axis=0)
    nxt = jnp.concatenate([h[1:, :], zero_row], axis=0)
    dn = (((1,), (0,)), ((), ()))
    conv = (lax.dot_general(prev, w_ref[0], dn, preferred_element_type=jnp.float32)
            + lax.dot_general(h, w_ref[1], dn, preferred_element_type=jnp.float32)
            + lax.dot_general(nxt, w_ref[2], dn, preferred_element_type=jnp.float32)
            + b_ref[...][None, :])
    zq_phi = h * (1.0 - RESI_RATIO) + conv * RESI_RATIO
    hz = z_ref[...]
    zn = hz / (jnp.sqrt(jnp.sum(hz * hz, axis=1, keepdims=True)) + 1e-12)
    zqst_ref[...] = zn + (zq_phi - zn)
    part = jnp.sum((zq_phi - zn) ** 2)

    @pl.when(step == 0)
    def _init():
        loss_ref[...] = part.reshape(1, 1)
        cs_ref[...] = jnp.sum(hist_ref[...], axis=0)

    @pl.when(step != 0)
    def _acc():
        loss_ref[...] += part.reshape(1, 1)


def _phi_loss_hist(zq3, z3, w_k, bias, hists):
    return pl.pallas_call(
        _phi_body,
        grid=(BATCH,),
        in_specs=[
            pl.BlockSpec((None, SEQ, CODE_DIM), lambda b: (b, 0, 0)),
            pl.BlockSpec((None, SEQ, CODE_DIM), lambda b: (b, 0, 0)),
            pl.BlockSpec((3, CODE_DIM, CODE_DIM), lambda b: (0, 0, 0)),
            pl.BlockSpec((CODE_DIM,), lambda b: (0,)),
            pl.BlockSpec((SC_WORKERS, N_EMBED), lambda b: (0, 0)),
        ],
        out_specs=(
            pl.BlockSpec((None, SEQ, CODE_DIM), lambda b: (b, 0, 0)),
            pl.BlockSpec((1, 1), lambda b: (0, 0)),
            pl.BlockSpec((N_EMBED,), lambda b: (0,)),
        ),
        out_shape=(
            jax.ShapeDtypeStruct((BATCH, SEQ, CODE_DIM), jnp.float32),
            jax.ShapeDtypeStruct((1, 1), jnp.float32),
            jax.ShapeDtypeStruct((N_EMBED,), jnp.float32),
        ),
    )(zq3, z3, w_k, bias, hists)


def kernel(z, codebook, phi_w, phi_b):
    zn = z / (jnp.linalg.norm(z, axis=-1, keepdims=True) + 1e-12)
    cn = codebook / (jnp.linalg.norm(codebook, axis=-1, keepdims=True) + 1e-12)
    flat = zn.reshape(-1, zn.shape[-1])
    d = (jnp.sum(flat ** 2, axis=1, keepdims=True)
         - 2.0 * flat @ cn.T
         + jnp.sum(cn ** 2, axis=1)[None, :])
    idx = jnp.argmin(d, axis=1)

    zq_flat, hists = _sc_gather_hist()(codebook, idx)

    w_k = jnp.transpose(phi_w, (2, 1, 0))

    zq_st, loss_sum, cluster_size = _phi_loss_hist(
        zq_flat.reshape(BATCH, SEQ, CODE_DIM), z, w_k, phi_b, hists)

    loss = loss_sum[0, 0] * ((1.0 + BETA) / float(TOKENS * CODE_DIM))
    return zq_st, loss, idx, cluster_size

# --- scband reference (transcript-rebuilt; emitter-appended) ---
"""Pipeline reference for scband-norm-msvector-quantizer-69733089017858 (READ-ONLY COPY).

The authoritative reference and input builder live on the scoring server;
editing this copy changes nothing except your own understanding.
"""

import jax, jax.numpy as jnp
import numpy as np

N_EMBED = 8192
CODE_DIM = 32
BETA = 0.25
RESI_RATIO = 0.5


def l2norm(t):
    return t / (jnp.linalg.norm(t, axis=-1, keepdims=True) + 1e-12)


def setup_inputs(seed: int = 0) -> dict:
    key = jax.random.key(seed)
    k1, k2, k3 = jax.random.split(key, 3)
    z = jax.random.normal(k1, (16, 1024, CODE_DIM), dtype=jnp.float32)
    # init_vocab(-1): uniform(-base, base) with base = dim**-0.5 / 36
    base = CODE_DIM ** (-0.5) / 36.0
    codebook = jax.random.uniform(k2, (N_EMBED, CODE_DIM), minval=-base, maxval=base, dtype=jnp.float32)
    # PhiShared: single Conv1d(embed_dim, embed_dim, ks=3, padding=1), quant_resi=-0.5 -> resi_ratio=0.5
    phi_w = jax.random.normal(k3, (CODE_DIM, CODE_DIM, 3), dtype=jnp.float32) * (1.0 / np.sqrt(CODE_DIM * 3))
    phi_b = jnp.zeros((CODE_DIM,), dtype=jnp.float32)
    return {"z": z, "codebook": codebook, "phi_w": phi_w, "phi_b": phi_b}


def phi_apply(h, w, b):
    # h: (B, C, L); w: (O, I, K); Phi: h*(1-r) + conv(h)*r
    out = jax.lax.conv_general_dilated(
        h, w, window_strides=(1,), padding="SAME",
        dimension_numbers=("NCH", "OIH", "NCH")) + b[None, :, None]
    return h * (1.0 - RESI_RATIO) + out * RESI_RATIO


def reference(z, codebook, phi_w, phi_b):
    # normalize inputs and codebook (Norm VQ)
    zn = l2norm(z)
    cn = l2norm(codebook)
    flat = zn.reshape(-1, zn.shape[-1])
    # squared L2 distance to each code
    d = (jnp.sum(flat ** 2, axis=1, keepdims=True)
         - 2.0 * flat @ cn.T
         + jnp.sum(cn ** 2, axis=1)[None, :])
    idx = jnp.argmin(d, axis=1)
    zq = jnp.take(cn, idx, axis=0).reshape(zn.shape)
    # quant_resi Phi (shared conv1d residual) along token axis
    zq_t = jnp.transpose(zq, (0, 2, 1))
    zq_t = phi_apply(zq_t, phi_w, phi_b)
    zq = jnp.transpose(zq_t, (0, 2, 1))
    # VQ losses
    commit = jnp.mean((jax.lax.stop_gradient(zq) - zn) ** 2)
    codebook_loss = jnp.mean((zq - jax.lax.stop_gradient(zn)) ** 2)
    loss = BETA * commit + codebook_loss
    # straight-through estimator
    zq_st = zn + jax.lax.stop_gradient(zq - zn)
    # code usage statistics
    cluster_size = jnp.bincount(idx, length=N_EMBED).astype(jnp.float32)
    return zq_st, loss, idx, cluster_size

if __name__ == "__main__":
    import jax
    _d = setup_inputs()
    print(jax.jit(kernel)(*tuple(_d.values())))

</pallas_src>

<mosaic_0001>
#map = affine_map<(d0, d1) -> (0, 0)>
#map1 = affine_map<(d0, d1) -> (0)>
module attributes {stable_mosaic.version = 14 : i64} {
  func.func @_sc_body(%arg0: i32, %arg1: i32, %arg2: memref<8192x32xf32, #tpu.memory_space<hbm>>, %arg3: memref<16384xi32, #tpu.memory_space<hbm>>, %arg4: memref<16384x32xf32, #tpu.memory_space<hbm>>, %arg5: memref<32x8192xf32, #tpu.memory_space<hbm>>, %arg6: memref<512xi32, #tpu.memory_space<vmem>>, %arg7: memref<512x32xf32, #tpu.memory_space<vmem>>, %arg8: memref<8192xf32, #tpu.memory_space<vmem>>, %arg9: memref<!tpu.dma_semaphore, #tpu.memory_space<semaphore_mem>>) attributes {dimension_semantics = [#tpu.dimension_semantics<core_parallel>, #tpu.dimension_semantics<subcore_parallel>], iteration_bounds = array<i64: 2, 16>, scalar_prefetch = 0 : i64, scratch_operands = 4 : i64, tpu.core_type = #tpu.core_type<sc_vector_subcore>, window_params = [{transform_indices = #map}, {transform_indices = #map1}, {transform_indices = #map}, {transform_indices = #map}]} {
    %mul3A = arith.constant 2 : i32
    %mul3A_0 = arith.muli %arg1, %mul3A : i32
    %add3A = arith.addi %mul3A_0, %arg0 : i32
    %mul3A_1 = arith.constant 512 : i32
    %mul3A_2 = arith.muli %add3A, %mul3A_1 : i32
    "tpu.region"() ({
      %run_scoped3A = tpu.sem_alloc : memref<!tpu.dma_semaphore, #tpu.memory_space<semaphore_mem>>
      %dma_start3A_21 = tpu.memref_slice %arg3[%mul3A_2] : memref<16384xi32, #tpu.memory_space<hbm>> -> memref<512xi32, #tpu.memory_space<hbm>>
      %dma_start3A_22 = tpu.memref_slice %arg3[%mul3A_2] : memref<16384xi32, #tpu.memory_space<hbm>> -> memref<512xi32, #tpu.memory_space<hbm>>
      tpu.enqueue_dma source(%dma_start3A_22 : memref<512xi32, #tpu.memory_space<hbm>>) target(%arg6 : memref<512xi32, #tpu.memory_space<vmem>>) target_semaphore(%run_scoped3A : memref<!tpu.dma_semaphore, #tpu.memory_space<semaphore_mem>>)
      %dma_wait3A_23 = tpu.memref_slice %arg3[%mul3A_2] : memref<16384xi32, #tpu.memory_space<hbm>> -> memref<512xi32, #tpu.memory_space<hbm>>
      %dma_wait3A_24 = tpu.memref_slice %arg3[%mul3A_2] : memref<16384xi32, #tpu.memory_space<hbm>> -> memref<512xi32, #tpu.memory_space<hbm>>
      tpu.wait_dma2 semaphore(%run_scoped3A : memref<!tpu.dma_semaphore, #tpu.memory_space<semaphore_mem>>) src(%dma_wait3A_24 : memref<512xi32, #tpu.memory_space<hbm>>) dst(%arg6 : memref<512xi32, #tpu.memory_space<vmem>>)
      tpu.yield
    }) : () -> ()
    %dma_start3A = arith.constant 0 : i32
    %dma_start3A_3 = arith.constant 0 : i32
    %dma_start3A_4 = tpu.memref_slice %arg2[%dma_start3A, %dma_start3A_3] : memref<8192x32xf32, #tpu.memory_space<hbm>> -> memref<8192x32xf32, #tpu.memory_space<hbm>>
    tpu.enqueue_indirect_dma source(%dma_start3A_4 : memref<8192x32xf32, #tpu.memory_space<hbm>>) target(%arg7 : memref<512x32xf32, #tpu.memory_space<vmem>>) offsets(%arg6 : memref<512xi32, #tpu.memory_space<vmem>>) semaphore(%arg9 : memref<!tpu.dma_semaphore, #tpu.memory_space<semaphore_mem>>)
    %broadcast_in_dim3A = arith.constant 0.000000e+00 : f32
    %broadcast_in_dim3A_5 = vector.broadcast %broadcast_in_dim3A : f32 to vector<16xf32>
    %scan3A = arith.constant 0 : i32
    %scan3A_6 = arith.constant 0 : i32
    %scan3A_7 = arith.constant 512 : i32
    %scan3A_8 = arith.addi %scan3A_6, %scan3A_7 : i32
    %scan3A_9 = arith.constant 1 : i32
    scf.for %scan3A_21 = %scan3A_6 to %scan3A_8 step %scan3A_9  : i32 {
      %mul3A_22 = arith.constant 16 : i32
      %mul3A_23 = arith.muli %scan3A_21, %mul3A_22 : i32
      %swap3A = arith.index_cast %mul3A_23 : i32 to index
      %swap3A_24 = tpu.vector_load %arg8[%swap3A] {strides = array<i32>} : memref<8192xf32, #tpu.memory_space<vmem>>, vector<16xf32>,
      tpu.vector_store %arg8[%swap3A], %broadcast_in_dim3A_5 {strides = array<i32>} : memref<8192xf32, #tpu.memory_space<vmem>>, vector<16xf32>,
    }
    %scan3A_10 = arith.constant 512 : i32
    %broadcast_in_dim3A_11 = arith.constant 1.000000e+00 : f32
    %broadcast_in_dim3A_12 = vector.broadcast %broadcast_in_dim3A_11 : f32 to vector<16xf32>
    %scan3A_13 = arith.constant 0 : i32
    %scan3A_14 = arith.constant 0 : i32
    %scan3A_15 = arith.constant 32 : i32
    %scan3A_16 = arith.addi %scan3A_14, %scan3A_15 : i32
    %scan3A_17 = arith.constant 1 : i32
    scf.for %scan3A_21 = %scan3A_14 to %scan3A_16 step %scan3A_17  : i32 {
      %mul3A_22 = arith.constant 16 : i32
      %mul3A_23 = arith.muli %scan3A_21, %mul3A_22 : i32
      %get3A = arith.index_cast %mul3A_23 : i32 to index
      %get3A_24 = tpu.vector_load %arg6[%get3A] {strides = array<i32>} : memref<512xi32, #tpu.memory_space<vmem>>, vector<16xi32>,
      tpu.vector_store_idx %arg8[%get3A_24], %broadcast_in_dim3A_12 {add = true} : memref<8192xf32, #tpu.memory_space<vmem>>[vector<16xi32>], vector<16xf32>,
    }
    %scan3A_18 = arith.constant 32 : i32
    %dma_wait3A = arith.constant 0 : i32
    %dma_wait3A_19 = arith.constant 0 : i32
    %dma_wait3A_20 = tpu.memref_slice %arg2[%dma_wait3A, %dma_wait3A_19] : memref<8192x32xf32, #tpu.memory_space<hbm>> -> memref<8192x32xf32, #tpu.memory_space<hbm>>
    tpu.wait_indirect_dma semaphore(%arg9 : memref<!tpu.dma_semaphore, #tpu.memory_space<semaphore_mem>>) src(%dma_wait3A_20 : memref<8192x32xf32, #tpu.memory_space<hbm>>) dst(%arg7 : memref<512x32xf32, #tpu.memory_space<vmem>>)
    "tpu.region"() ({
      %run_scoped3A = tpu.sem_alloc : memref<!tpu.dma_semaphore, #tpu.memory_space<semaphore_mem>>
      %dma_start3A_21 = arith.constant 0 : i32
      %dma_start3A_22 = tpu.memref_slice %arg4[%mul3A_2, %dma_start3A_21] : memref<16384x32xf32, #tpu.memory_space<hbm>> -> memref<512x32xf32, #tpu.memory_space<hbm>>
      %dma_start3A_23 = arith.constant 0 : i32
      %dma_start3A_24 = tpu.memref_slice %arg4[%mul3A_2, %dma_start3A_23] : memref<16384x32xf32, #tpu.memory_space<hbm>> -> memref<512x32xf32, #tpu.memory_space<hbm>>
      tpu.enqueue_dma source(%arg7 : memref<512x32xf32, #tpu.memory_space<vmem>>) target(%dma_start3A_24 : memref<512x32xf32, #tpu.memory_space<hbm>>) target_semaphore(%run_scoped3A : memref<!tpu.dma_semaphore, #tpu.memory_space<semaphore_mem>>)
      %dma_wait3A_25 = arith.constant 0 : i32
      %dma_wait3A_26 = tpu.memref_slice %arg4[%mul3A_2, %dma_wait3A_25] : memref<16384x32xf32, #tpu.memory_space<hbm>> -> memref<512x32xf32, #tpu.memory_space<hbm>>
      %dma_wait3A_27 = arith.constant 0 : i32
      %dma_wait3A_28 = tpu.memref_slice %arg4[%mul3A_2, %dma_wait3A_27] : memref<16384x32xf32, #tpu.memory_space<hbm>> -> memref<512x32xf32, #tpu.memory_space<hbm>>
      tpu.wait_dma2 semaphore(%run_scoped3A : memref<!tpu.dma_semaphore, #tpu.memory_space<semaphore_mem>>) src(%arg7 : memref<512x32xf32, #tpu.memory_space<vmem>>) dst(%dma_wait3A_28 : memref<512x32xf32, #tpu.memory_space<hbm>>)
      tpu.yield
    }) : () -> ()
    "tpu.region"() ({
      %run_scoped3A = tpu.sem_alloc : memref<!tpu.dma_semaphore, #tpu.memory_space<semaphore_mem>>
      %dma_start3A_21 = arith.constant 0 : i32
      %dma_start3A_22 = tpu.memref_slice %arg5[%add3A, %dma_start3A_21] : memref<32x8192xf32, #tpu.memory_space<hbm>> -> memref<1x8192xf32, #tpu.memory_space<hbm>>
      %dma_start3A_23 = tpu.memref_squeeze %dma_start3A_22 : memref<1x8192xf32, #tpu.memory_space<hbm>> -> memref<8192xf32, #tpu.memory_space<hbm>>
      %dma_start3A_24 = arith.constant 0 : i32
      %dma_start3A_25 = tpu.memref_slice %arg5[%add3A, %dma_start3A_24] : memref<32x8192xf32, #tpu.memory_space<hbm>> -> memref<1x8192xf32, #tpu.memory_space<hbm>>
      %dma_start3A_26 = tpu.memref_squeeze %dma_start3A_25 : memref<1x8192xf32, #tpu.memory_space<hbm>> -> memref<8192xf32, #tpu.memory_space<hbm>>
      tpu.enqueue_dma source(%arg8 : memref<8192xf32, #tpu.memory_space<vmem>>) target(%dma_start3A_26 : memref<8192xf32, #tpu.memory_space<hbm>>) target_semaphore(%run_scoped3A : memref<!tpu.dma_semaphore, #tpu.memory_space<semaphore_mem>>)
      %dma_wait3A_27 = arith.constant 0 : i32
      %dma_wait3A_28 = tpu.memref_slice %arg5[%add3A, %dma_wait3A_27] : memref<32x8192xf32, #tpu.memory_space<hbm>> -> memref<1x8192xf32, #tpu.memory_space<hbm>>
      %dma_wait3A_29 = tpu.memref_squeeze %dma_wait3A_28 : memref<1x8192xf32, #tpu.memory_space<hbm>> -> memref<8192xf32, #tpu.memory_space<hbm>>
      %dma_wait3A_30 = arith.constant 0 : i32
      %dma_wait3A_31 = tpu.memref_slice %arg5[%add3A, %dma_wait3A_30] : memref<32x8192xf32, #tpu.memory_space<hbm>> -> memref<1x8192xf32, #tpu.memory_space<hbm>>
      %dma_wait3A_32 = tpu.memref_squeeze %dma_wait3A_31 : memref<1x8192xf32, #tpu.memory_space<hbm>> -> memref<8192xf32, #tpu.memory_space<hbm>>
      tpu.wait_dma2 semaphore(%run_scoped3A : memref<!tpu.dma_semaphore, #tpu.memory_space<semaphore_mem>>) src(%arg8 : memref<8192xf32, #tpu.memory_space<vmem>>) dst(%dma_wait3A_32 : memref<8192xf32, #tpu.memory_space<hbm>>)
      tpu.yield
    }) : () -> ()
    return
  }
}

module attributes {stable_mosaic.version = 14 : i64} {
  func.func @_phi_body(%arg0: i32, %arg1: memref<1x1024x32xf32, #tpu.memory_space<vmem>>, %arg2: memref<1x1024x32xf32, #tpu.memory_space<vmem>>, %arg3: memref<3x32x32xf32, #tpu.memory_space<vmem>>, %arg4: memref<32xf32, #tpu.memory_space<vmem>>, %arg5: memref<32x8192xf32, #tpu.memory_space<vmem>>, %arg6: memref<1x1024x32xf32, #tpu.memory_space<vmem>>, %arg7: memref<1x1xf32, #tpu.memory_space<vmem>>, %arg8: memref<8192xf32, #tpu.memory_space<vmem>>) attributes {dimension_semantics = [#tpu.dimension_semantics<arbitrary>], iteration_bounds = array<i64: 16>, scalar_prefetch = 0 : i64, scratch_operands = 0 : i64, tpu.core_type = #tpu.core_type<tc>, window_params = [{transform_indices = @transform_0, window_bounds = array<i64: 1, 1024, 32>}, {transform_indices = @transform_1, window_bounds = array<i64: 1, 1024, 32>}, {pipeline_mode = #tpu.pipeline_mode<synchronous>, transform_indices = @transform_2, window_bounds = array<i64: 3, 32, 32>}, {pipeline_mode = #tpu.pipeline_mode<synchronous>, transform_indices = @transform_3, window_bounds = array<i64: 32>}, {pipeline_mode = #tpu.pipeline_mode<synchronous>, transform_indices = @transform_4, window_bounds = array<i64: 32, 8192>}, {transform_indices = @transform_5, window_bounds = array<i64: 1, 1024, 32>}, {pipeline_mode = #tpu.pipeline_mode<synchronous>, transform_indices = @transform_6, window_bounds = array<i64: 1, 1>}, {pipeline_mode = #tpu.pipeline_mode<synchronous>, transform_indices = @transform_7, window_bounds = array<i64: 8192>}]} {
    %get3A = arith.constant 0 : index
    %get3A_0 = arith.constant 0 : index
    %get3A_1 = arith.constant 0 : index
    %get3A_2 = vector.load %arg1[%get3A, %get3A_0, %get3A_1] : memref<1x1024x32xf32, #tpu.memory_space<vmem>>, vector<1x1024x32xf32>
    %get3A_3 = vector.shape_cast %get3A_2 : vector<1x1024x32xf32> to vector<1024x32xf32>
    %mul3A = arith.mulf %get3A_3, %get3A_3 : vector<1024x32xf32>
    %reduce_sum3A = arith.constant dense<0.000000e+00> : vector<1024xf32>
    %reduce_sum3A_4 = vector.multi_reduction <add>, %mul3A, %reduce_sum3A [1] : vector<1024x32xf32> to vector<1024xf32>
    %broadcast_in_dim3A = vector.shape_cast %reduce_sum3A_4 : vector<1024xf32> to vector<1024x1xf32>
    %sqrt3A = math.sqrt %broadcast_in_dim3A : vector<1024x1xf32>
    %add3A = arith.constant 9.99999996E-13 : f32
    %add3A_5 = vector.broadcast %add3A : f32 to vector<1024x1xf32>
    %add3A_6 = arith.addf %sqrt3A, %add3A_5 : vector<1024x1xf32>
    %div3A = vector.broadcast %add3A_6 : vector<1024x1xf32> to vector<1024x32xf32>
    %div3A_7 = arith.divf %get3A_3, %div3A : vector<1024x32xf32>
    %broadcast_in_dim3A_8 = arith.constant 0.000000e+00 : f32
    %broadcast_in_dim3A_9 = vector.broadcast %broadcast_in_dim3A_8 : f32 to vector<1x32xf32>
    %slice3A = vector.extract_strided_slice %div3A_7 {offsets = [0, 0], sizes = [1023, 32], strides = [1, 1]} : vector<1024x32xf32> to vector<1023x32xf32>
    %concatenate3A = tpu.concatenate %broadcast_in_dim3A_9, %slice3A in 0 : vector<1x32xf32>, vector<1023x32xf32> -> vector<1024x32xf32>
    %slice3A_10 = vector.extract_strided_slice %div3A_7 {offsets = [1, 0], sizes = [1023, 32], strides = [1, 1]} : vector<1024x32xf32> to vector<1023x32xf32>
    %concatenate3A_11 = tpu.concatenate %slice3A_10, %broadcast_in_dim3A_9 in 0 : vector<1023x32xf32>, vector<1x32xf32> -> vector<1024x32xf32>
    %get3A_12 = arith.constant 0 : index
    %get3A_13 = arith.constant 0 : index
    %get3A_14 = arith.constant 0 : index
    %get3A_15 = vector.load %arg3[%get3A_12, %get3A_13, %get3A_14] : memref<3x32x32xf32, #tpu.memory_space<vmem>>, vector<1x32x32xf32>
    %get3A_16 = vector.shape_cast %get3A_15 : vector<1x32x32xf32> to vector<32x32xf32>
    %dot_general3A = arith.constant dense<0.000000e+00> : vector<1024x32xf32>
    %dot_general3A_17 = tpu.matmul %concatenate3A, %get3A_16, %dot_general3A {dimension_numbers = #tpu.dot_dimension_numbers<[1], [0], [0], [1], [0, 0, 1, 1], [], []>, transpose_lhs_hint = false} : vector<1024x32xf32>, vector<32x32xf32>, vector<1024x32xf32> -> vector<1024x32xf32>
    %get3A_18 = arith.constant 1 : index
    %get3A_19 = arith.constant 0 : index
    %get3A_20 = arith.constant 0 : index
    %get3A_21 = vector.load %arg3[%get3A_18, %get3A_19, %get3A_20] : memref<3x32x32xf32, #tpu.memory_space<vmem>>, vector<1x32x32xf32>
    %get3A_22 = vector.shape_cast %get3A_21 : vector<1x32x32xf32> to vector<32x32xf32>
    %dot_general3A_23 = arith.constant dense<0.000000e+00> : vector<1024x32xf32>
    %dot_general3A_24 = tpu.matmul %div3A_7, %get3A_22, %dot_general3A_23 {dimension_numbers = #tpu.dot_dimension_numbers<[1], [0], [0], [1], [0, 0, 1, 1], [], []>, transpose_lhs_hint = false} : vector<1024x32xf32>, vector<32x32xf32>, vector<1024x32xf32> -> vector<1024x32xf32>
    %add3A_25 = arith.addf %dot_general3A_17, %dot_general3A_24 : vector<1024x32xf32>
    %get3A_26 = arith.constant 2 : index
    %get3A_27 = arith.constant 0 : index
    %get3A_28 = arith.constant 0 : index
    %get3A_29 = vector.load %arg3[%get3A_26, %get3A_27, %get3A_28] : memref<3x32x32xf32, #tpu.memory_space<vmem>>, vector<1x32x32xf32>
    %get3A_30 = vector.shape_cast %get3A_29 : vector<1x32x32xf32> to vector<32x32xf32>
    %dot_general3A_31 = arith.constant dense<0.000000e+00> : vector<1024x32xf32>
    %dot_general3A_32 = tpu.matmul %concatenate3A_11, %get3A_30, %dot_general3A_31 {dimension_numbers = #tpu.dot_dimension_numbers<[1], [0], [0], [1], [0, 0, 1, 1], [], []>, transpose_lhs_hint = false} : vector<1024x32xf32>, vector<32x32xf32>, vector<1024x32xf32> -> vector<1024x32xf32>
    %add3A_33 = arith.addf %add3A_25, %dot_general3A_32 : vector<1024x32xf32>
    %get3A_34 = arith.constant 0 : index
    %get3A_35 = vector.load %arg4[%get3A_34] : memref<32xf32, #tpu.memory_space<vmem>>, vector<32xf32>
    %broadcast_in_dim3A_36 = vector.shape_cast %get3A_35 : vector<32xf32> to vector<1x32xf32>
    %add3A_37 = vector.broadcast %broadcast_in_dim3A_36 : vector<1x32xf32> to vector<1024x32xf32>
    %add3A_38 = arith.addf %add3A_33, %add3A_37 : vector<1024x32xf32>
    %mul3A_39 = arith.constant 5.000000e-01 : f32
    %mul3A_40 = vector.broadcast %mul3A_39 : f32 to vector<1024x32xf32>
    %mul3A_41 = arith.mulf %div3A_7, %mul3A_40 : vector<1024x32xf32>
    %mul3A_42 = arith.constant 5.000000e-01 : f32
    %mul3A_43 = vector.broadcast %mul3A_42 : f32 to vector<1024x32xf32>
    %mul3A_44 = arith.mulf %add3A_38, %mul3A_43 : vector<1024x32xf32>
    %add3A_45 = arith.addf %mul3A_41, %mul3A_44 : vector<1024x32xf32>
    %get3A_46 = arith.constant 0 : index
    %get3A_47 = arith.constant 0 : index
    %get3A_48 = arith.constant 0 : index
    %get3A_49 = vector.load %arg2[%get3A_46, %get3A_47, %get3A_48] : memref<1x1024x32xf32, #tpu.memory_space<vmem>>, vector<1x1024x32xf32>
    %get3A_50 = vector.shape_cast %get3A_49 : vector<1x1024x32xf32> to vector<1024x32xf32>
    %mul3A_51 = arith.mulf %get3A_50, %get3A_50 : vector<1024x32xf32>
    %reduce_sum3A_52 = arith.constant dense<0.000000e+00> : vector<1024xf32>
    %reduce_sum3A_53 = vector.multi_reduction <add>, %mul3A_51, %reduce_sum3A_52 [1] : vector<1024x32xf32> to vector<1024xf32>
    %broadcast_in_dim3A_54 = vector.shape_cast %reduce_sum3A_53 : vector<1024xf32> to vector<1024x1xf32>
    %sqrt3A_55 = math.sqrt %broadcast_in_dim3A_54 : vector<1024x1xf32>
    %add3A_56 = arith.constant 9.99999996E-13 : f32
    %add3A_57 = vector.broadcast %add3A_56 : f32 to vector<1024x1xf32>
    %add3A_58 = arith.addf %sqrt3A_55, %add3A_57 : vector<1024x1xf32>
    %div3A_59 = vector.broadcast %add3A_58 : vector<1024x1xf32> to vector<1024x32xf32>
    %div3A_60 = arith.divf %get3A_50, %div3A_59 : vector<1024x32xf32>
    %sub3A = arith.subf %add3A_45, %div3A_60 : vector<1024x32xf32>
    %add3A_61 = arith.addf %div3A_60, %sub3A : vector<1024x32xf32>
    %swap3A = arith.constant 0 : index
    %swap3A_62 = arith.constant 0 : index
    %swap3A_63 = arith.constant 0 : index
    %swap3A_64 = vector.load %arg6[%swap3A, %swap3A_62, %swap3A_63] : memref<1x1024x32xf32, #tpu.memory_space<vmem>>, vector<1x1024x32xf32>
    %swap3A_65 = vector.shape_cast %swap3A_64 : vector<1x1024x32xf32> to vector<1024x32xf32>
    %swap3A_66 = vector.shape_cast %add3A_61 : vector<1024x32xf32> to vector<1x1024x32xf32>
    tpu.vector_store %arg6[%swap3A, %swap3A_62, %swap3A_63], %swap3A_66 {strides = array<i32>} : memref<1x1024x32xf32, #tpu.memory_space<vmem>>, vector<1x1024x32xf32>,
    %sub3A_67 = arith.subf %add3A_45, %div3A_60 : vector<1024x32xf32>
    %integer_pow3A = arith.mulf %sub3A_67, %sub3A_67 : vector<1024x32xf32>
    %reduce_sum3A_68 = vector.shape_cast %integer_pow3A : vector<1024x32xf32> to vector<1x1024x32xf32>
    %reduce_sum3A_69 = arith.constant dense<0.000000e+00> : vector<1xf32>
    %reduce_sum3A_70 = vector.multi_reduction <add>, %reduce_sum3A_68, %reduce_sum3A_69 [1, 2] : vector<1x1024x32xf32> to vector<1xf32>
    %reduce_sum3A_71 = vector.shape_cast %reduce_sum3A_70 : vector<1xf32> to vector<1x1x1xf32>
    %reduce_sum3A_72 = vector.extract %reduce_sum3A_71[0, 0, 0] : f32 from vector<1x1x1xf32>
    %eq3A = arith.constant 0 : i32
    %eq3A_73 = arith.cmpi eq, %arg0, %eq3A : i32
    %convert_element_type3A = arith.extui %eq3A_73 : i1 to i32
    %cond3A = arith.constant 0 : i32
    %cond3A_74 = arith.cmpi ne, %convert_element_type3A, %cond3A : i32
    scf.if %cond3A_74 {
      %reshape3A = vector.broadcast %reduce_sum3A_72 : f32 to vector<1x1xf32>
      %swap3A_79 = arith.constant 0 : index
      %swap3A_80 = arith.constant 0 : index
      %swap3A_81 = vector.load %arg7[%swap3A_79, %swap3A_80] : memref<1x1xf32, #tpu.memory_space<vmem>>, vector<1x1xf32>
      tpu.vector_store %arg7[%swap3A_79, %swap3A_80], %reshape3A {strides = array<i32>} : memref<1x1xf32, #tpu.memory_space<vmem>>, vector<1x1xf32>,
      %get3A_82 = arith.constant 0 : index
      %get3A_83 = arith.constant 0 : index
      %get3A_84 = vector.load %arg5[%get3A_82, %get3A_83] : memref<32x8192xf32, #tpu.memory_space<vmem>>, vector<32x8192xf32>
      %reduce_sum3A_85 = arith.constant dense<0.000000e+00> : vector<8192xf32>
      %reduce_sum3A_86 = vector.multi_reduction <add>, %get3A_84, %reduce_sum3A_85 [0] : vector<32x8192xf32> to vector<8192xf32>
      %swap3A_87 = arith.constant 0 : index
      %swap3A_88 = vector.load %arg8[%swap3A_87] : memref<8192xf32, #tpu.memory_space<vmem>>, vector<8192xf32>
      tpu.vector_store %arg8[%swap3A_87], %reduce_sum3A_86 {strides = array<i32>} : memref<8192xf32, #tpu.memory_space<vmem>>, vector<8192xf32>,
    } else {
    }
    %ne3A = arith.constant 0 : i32
    %ne3A_75 = arith.cmpi ne, %arg0, %ne3A : i32
    %convert_element_type3A_76 = arith.extui %ne3A_75 : i1 to i32
    %cond3A_77 = arith.constant 0 : i32
    %cond3A_78 = arith.cmpi ne, %convert_element_type3A_76, %cond3A_77 : i32
    scf.if %cond3A_78 {
      %get3A_79 = arith.constant 0 : index
      %get3A_80 = arith.constant 0 : index
      %get3A_81 = vector.load %arg7[%get3A_79, %get3A_80] : memref<1x1xf32, #tpu.memory_space<vmem>>, vector<1x1xf32>
      %reshape3A = vector.broadcast %reduce_sum3A_72 : f32 to vector<1x1xf32>
      %add3A_82 = arith.addf %get3A_81, %reshape3A : vector<1x1xf32>
      %swap3A_83 = arith.constant 0 : index
      %swap3A_84 = arith.constant 0 : index
      %swap3A_85 = vector.load %arg7[%swap3A_83, %swap3A_84] : memref<1x1xf32, #tpu.memory_space<vmem>>, vector<1x1xf32>
      tpu.vector_store %arg7[%swap3A_83, %swap3A_84], %add3A_82 {strides = array<i32>} : memref<1x1xf32, #tpu.memory_space<vmem>>, vector<1x1xf32>,
    } else {
    }
    return
  }
  func.func @transform_0(%arg0: i32) -> (i32, i32, i32) {
    %c0_i32 = arith.constant 0 : i32
    %c0_i32_0 = arith.constant 0 : i32
    %c0_i32_1 = arith.constant 0 : i32
    return %arg0, %c0_i32, %c0_i32_0 : i32, i32, i32
  }
  func.func @transform_1(%arg0: i32) -> (i32, i32, i32) {
    %c0_i32 = arith.constant 0 : i32
    %c0_i32_0 = arith.constant 0 : i32
    %c0_i32_1 = arith.constant 0 : i32
    return %arg0, %c0_i32, %c0_i32_0 : i32, i32, i32
  }
  func.func @transform_2(%arg0: i32) -> (i32, i32, i32) {
    %c0_i32 = arith.constant 0 : i32
    %c0_i32_0 = arith.constant 0 : i32
    %c0_i32_1 = arith.constant 0 : i32
    %c0_i32_2 = arith.constant 0 : i32
    return %c0_i32, %c0_i32_0, %c0_i32_1 : i32, i32, i32
  }
  func.func @transform_3(%arg0: i32) -> i32 {
    %c0_i32 = arith.constant 0 : i32
    %c0_i32_0 = arith.constant 0 : i32
    return %c0_i32 : i32
  }
  func.func @transform_4(%arg0: i32) -> (i32, i32) {
    %c0_i32 = arith.constant 0 : i32
    %c0_i32_0 = arith.constant 0 : i32
    %c0_i32_1 = arith.constant 0 : i32
    return %c0_i32, %c0_i32_0 : i32, i32
  }
  func.func @transform_5(%arg0: i32) -> (i32, i32, i32) {
    %c0_i32 = arith.constant 0 : i32
    %c0_i32_0 = arith.constant 0 : i32
    %c0_i32_1 = arith.constant 0 : i32
    return %arg0, %c0_i32, %c0_i32_0 : i32, i32, i32
  }
  func.func @transform_6(%arg0: i32) -> (i32, i32) {
    %c0_i32 = arith.constant 0 : i32
    %c0_i32_0 = arith.constant 0 : i32
    %c0_i32_1 = arith.constant 0 : i32
    return %c0_i32, %c0_i32_0 : i32, i32
  }
  func.func @transform_7(%arg0: i32) -> i32 {
    %c0_i32 = arith.constant 0 : i32
    %c0_i32_0 = arith.constant 0 : i32
    return %c0_i32 : i32
  }
}

</mosaic_0001>

<sc_bundles>
// kernel: kernel.4.cloned.1.call-start
scs
__scs_entry_jumppad:
0x0: {  	(pc) =	sbr.rel $0x88, $3  }
0x1: {  	(tag) =	ssettag $0x0;
	lr =	simm.s32 $0x1  }
0x2: {  	[smem:$0x3F9D] =	sst lr;
	_ =	strace $0xD0000000  }
0x3: {  	_ = 	snop  }
0x4: {  	_ = 	snop  }
0x5: {  	_ = 	snop  }
0x6: {  	_ = 	snop  }
0x7: {  	_ = 	snop  }
__scs_overlays_trampoline_lowered:
0x8: {  	[smem:$0x3FAC] =	sst s0  }
0x9: {  	[smem:$0x3FAD] =	sst s1  }
0xa: {  	[smem:$0x3FAE] =	sst s2  }
0xb: {  	[smem:$0x3FAF] =	sst s3  }
0xc: {  	[smem:$0x3FB0] =	sst s4  }
0xd: {  	[smem:$0x3FB1] =	sst s5  }
0xe: {  	[smem:$0x3FB2] =	sst s6  }
0xf: {  	[smem:$0x3FB3] =	sst s7  }
0x10: {  	[smem:$0x3FB4] =	sst s8  }
0x11: {  	[smem:$0x3FB5] =	sst s9;
	s0 =	simm.s32 @!p0 $0x0  }
0x12: {  	s1 =	sld [smem:$0x3F9B];
	s0 =	simm.s32 @p0 $0x1  }
0x13: {  	[smem:$0x3FB6] =	sst s0;
	s0 =	simm.s32 @!p1 $0x0  }
0x14: {  	s2 =	sld [smem:$0x3F9A];
	s0 =	simm.s32 @p1 $0x1  }
0x15: {  	[smem:$0x3FB7] =	sst s0;
	s0 =	simm.s32 @!p2 $0x0  }
0x16: {  	s3 =	sld [smem:$0x3FDB];
	s0 =	simm.s32 @p2 $0x1  }
0x17: {  	s4 =	simm.s32 $0x1BF5;
	[smem:$0x3FB9] =	sst s0  }
0x18: {  	s0 =	sld [smem:$0x3F9C];
	_ =	swait.ge [sflag:s4], $0x0  }
0x19: {  	s7 =	sld [smem:$0x3F9D]  }
0x1a: {  	s8 =	sadd.s32 $0xFFFFE003, lr  }
0x1b: {  	s9 =	sadd.s32 $0xFFFFFEF7, lr;
	s5 =	simm.s32 $0xFFFFFFFF;
	p2 =	slt.u32 s8, $0xFFFFF086  }
0x1c: {  	p1 =	slt.u32 s9, $0xF7A;
	s5 =	simm.s32 @!p2 $0x0  }
0x1d: {  	s5 =	simm.s32 @p1 $0x1;
	p0 =	seq.s32 s7, s2  }
0x1e: {  	s7 =	smul.u32 @!p0 $0xF7A, s2;
	p2 =	seq.s32 @!p0 s5, $0x0  }
0x1f: {  	s9 =	smul.u32 $0xF7A, s1;
	s8 =	simm.s32 @!p0 $0x1BF5;
	p2 =	por !p2, p0  }
0x20: {  	[sflag:s8] =	ssyncset.s32 @!p0 $0xFFFFF086;
	s6 =	sadd.s32 @!p0 s3, s7;
	s7 =	simm.s32 @!p0 $0x108  }
0x21: {  	s3 =	sadd.s32 s3, s9;
	s6 =	sadd.s32 @!p0 $0x88, s6;
	s7 =	simm.s32 @p2 $0x1082  }
0x22: {  	[simem:s7], [sflag:s8] =	dma.local @!p0 [hbm:s6], $0xF7A  }
0x23: {  	s9 =	sor.u32 $0xD0000000, s2;
	s6 =	simm.s32 $0x108;
	_ =	swait.ge @!p0 [sflag:s8], $0x0  }
0x24: {  	s3 =	sadd.s32 $0x88, s3;
	s6 =	simm.s32 @!p1 $0x1082;
	[sflag:s4] =	ssyncset.s32 $0xFFFFF086  }
0x25: {  	[simem:s6], [sflag:s4] =	dma.local [hbm:s3], $0xF7A  }
0x26: {  	[smem:$0x3F9D] =	sst s1;
	(tag) =	ssettag s2;
	_ =	strace s9  }
0x27: {  	s1 =	sld [smem:$0x3FAD]  }
0x28: {  	s2 =	sld [smem:$0x3FAE]  }
0x29: {  	s4 =	sld [smem:$0x3FB0]  }
0x2a: {  	p0 =	seq.s32 s5, $0x0;
	s5 =	sld [smem:$0x3FB1]  }
0x2b: {  	s6 =	sld [smem:$0x3FB2]  }
0x2c: {  	s7 =	sld [smem:$0x3FB3]  }
0x2d: {  	s3 =	simm.s32 $0x108;
	s8 =	sld [smem:$0x3FB4]  }
0x2e: {  	s3 =	simm.s32 @!p0 $0x1082;
	s9 =	sld [smem:$0x3FB5]  }
0x2f: {  	lr =	sadd.s32 s0, s3;
	s0 =	sld [smem:$0x3FAC]  }
0x30: {  	s3 =	sld [smem:$0x3FAF]  }
0x31: {  	[smem:$0x3FB8] =	sst s10  }
0x32: {  	s10 =	sld [smem:$0x3FB6];
	_ =	sdelay $0x3  }
0x33: {  	p0 =	seq.s32 s10, $0x1;
	s10 =	sld [smem:$0x3FB8];
	_ =	sdelay $0x3  }
0x34: {  	[smem:$0x3FB8] =	sst s10  }
0x35: {  	s10 =	sld [smem:$0x3FB7];
	_ =	sdelay $0x3  }
0x36: {  	p1 =	seq.s32 s10, $0x1;
	s10 =	sld [smem:$0x3FB8];
	_ =	sdelay $0x3  }
0x37: {  	[smem:$0x3FB8] =	sst s10  }
0x38: {  	s10 =	sld [smem:$0x3FB9]  }
0x39: {  	_ = 	snop;
	(pc) =	sbr.ind lr, $3  }
0x3a: {  	_ = 	snop  }
0x3b: {  	_ = 	snop  }
0x3c: {  	p2 =	seq.s32 s10, $0x1;
	s10 =	sld [smem:$0x3FB8]  }
0x3d: {  	_ =	shalt  }
0x3e: {  	_ =	shalt  }
0x3f: {  	_ =	shalt  }
0x40: {  	_ =	shalt  }
0x41: {  	_ =	shalt  }
0x42: {  	_ =	shalt  }
0x43: {  	_ =	shalt  }
0x44: {  	_ =	shalt  }
0x45: {  	_ =	shalt  }
0x46: {  	_ =	shalt  }
0x47: {  	_ =	shalt  }
0x48: {  	_ =	shalt  }
0x49: {  	_ =	shalt  }
0x4a: {  	_ =	shalt  }
0x4b: {  	_ =	shalt  }
0x4c: {  	_ =	shalt  }
0x4d: {  	_ =	shalt  }
0x4e: {  	_ =	shalt  }
0x4f: {  	_ =	shalt  }
0x50: {  	_ =	shalt  }
0x51: {  	_ =	shalt  }
0x52: {  	_ =	shalt  }
0x53: {  	_ =	shalt  }
0x54: {  	_ =	shalt  }
0x55: {  	_ =	shalt  }
0x56: {  	_ =	shalt  }
0x57: {  	_ =	shalt  }
0x58: {  	_ =	shalt  }
0x59: {  	_ =	shalt  }
0x5a: {  	_ =	shalt  }
0x5b: {  	_ =	shalt  }
0x5c: {  	_ =	shalt  }
0x5d: {  	_ =	shalt  }
0x5e: {  	_ =	shalt  }
0x5f: {  	_ =	shalt  }
0x60: {  	_ =	shalt  }
0x61: {  	_ =	shalt  }
0x62: {  	_ =	shalt  }
0x63: {  	_ =	shalt  }
0x64: {  	_ =	shalt  }
0x65: {  	_ =	shalt  }
0x66: {  	_ =	shalt  }
0x67: {  	_ =	shalt  }
0x68: {  	_ =	shalt  }
0x69: {  	_ =	shalt  }
0x6a: {  	_ =	shalt  }
0x6b: {  	_ =	shalt  }
0x6c: {  	_ =	shalt  }
0x6d: {  	_ =	shalt  }
0x6e: {  	_ =	shalt  }
0x6f: {  	_ =	shalt  }
0x70: {  	_ =	shalt  }
0x71: {  	_ =	shalt  }
0x72: {  	_ =	shalt  }
0x73: {  	_ =	shalt  }
0x74: {  	_ =	shalt  }
0x75: {  	_ =	shalt  }
0x76: {  	_ =	shalt  }
0x77: {  	_ =	shalt  }
0x78: {  	_ =	shalt  }
0x79: {  	_ =	shalt  }
0x7a: {  	_ =	shalt  }
0x7b: {  	_ =	shalt  }
0x7c: {  	_ =	shalt  }
0x7d: {  	_ =	shalt  }
0x7e: {  	_ =	shalt  }
0x7f: {  	_ =	shalt  }
0x80: {  	_ =	shalt  }
0x81: {  	_ =	shalt  }
0x82: {  	_ =	shalt  }
0x83: {  	_ =	shalt  }
0x84: {  	_ =	shalt  }
0x85: {  	_ =	shalt  }
0x86: {  	_ =	shalt  }
0x87: {  	_ =	shalt  }
.Lfunc_end0:
.L_simem_size_0:
called_computation_lowered:
.L_overlay_start_0:
0x88: {  	s2 =	sld [smem:$0x3FD9]  }
0x89: {  	s3 =	sld [smem:$0x3FFE];
	_ =	sdelay $0x1  }
0x8a: {  	s1 =	srdreg.scid  }
0x8b: {  	s0 =	sand.u32 $0x1, s1  }
0x8c: {  	s14 =	sshll.u32 s0, $0xA;
	s2 =	sadd.s32 s3, s2  }
0x8d: {  	s2 =	sadd.s32 s2, s14  }
0x8e: {  	[smem:$0x3FC4] =	sst s2  }
0x8f: {  	_ = 	snop  }
0x90: {  	s2 =	sld [smem:$0x3FD0];
	_ =	sdelay $0x2  }
0x91: {  	s15 =	simm.s32 $0xA;
	s4 =	simm.s32 $0x10  }
0x92: {  	[smem:s4], [sflag:s15] =	dma.local [hbm:s2], $0x1  }
0x93: {  	_ =	swait.eq [sflag:s15], $0x1  }
0x94: {  	[sflag:s15] =	ssyncset.done $0x0  }
0x95: {  	s16 =	sld [smem:$0x10];
	[sflag:s15] =	ssyncadd.s32 $0xFFFFFFFF  }
0x96: {  	s17 =	sld [smem:$0x12];
	(tm) =	ssettm $0x1  }
0x97: {  	s18 =	sld [smem:$0x3FFB];
	_ =	sdelay $0x3  }
0x98: {  	_ =	strace s18  }
0x99: {  	s4 =	sld [smem:$0x3FFC];
	_ =	sdelay $0x3  }
0x9a: {  	_ =	strace s4  }
0x9b: {  	s4 =	sld [smem:$0x3FFD];
	_ =	sdelay $0x3  }
0x9c: {  	_ =	strace s4  }
0x9d: {  	_ =	strace $0x8FFFFFFF  }
0x9e: {  	s19 =	sld [smem:$0x3FDB];
	_ =	sdelay $0x1  }
0x9f: {  	s5 =	simm.s32 $_scs_section_size  }
0xa0: {  	s6 =	simm.s32 $_size__tile_overlayer_lowered;
	s7 =	simm.s32 $_tile_overlayer_lowered  }
0xa1: {  	s22 =	simm.s32 $0x1BFF;
	s21 =	sshll.u32 s7, $0x1;
	s4 =	sadd.s32 s5, s19  }
0xa2: {  	s8 =	simm.s32 $0x0;
	s20 =	sshll.u32 s6, $0x1;
	s6 =	sadd.s32 s21, s4  }
0xa3: {  	[timem:s8], [sflag:s22] =	dma.local [hbm:s6], s20  }
0xa4: {  	_ =	swait.ge [sflag:s22], s20  }
0xa5: {  	s5 =	ssub.s32 $0x0, s20;
	[sflag:s22] =	ssyncset.done $0x0  }
0xa6: {  	[sflag:s22] =	ssyncadd.s32 s5;
	_ =	sdelay $0x1  }
0xa7: {  	s23 =	simm.s32 $0x1B8B  }
0xa8: {  	_ =	swait.ge [sflag:s23], $0x1  }
0xa9: {  	[sflag:s23] =	ssyncset.done $0x0  }
0xaa: {  	s25 =	simm.s32 $0x1B8E;
	s24 =	sld [smem:$0x3FFE];
	[sflag:s23] =	ssyncadd.s32 $0xFFFFFFFF  }
0xab: {  	s26 =	simm.s32 $execute0_lowered;
	[smem:$0x3FD2] =	sst s25  }
0xac: {  	s6 =	sshll.u32 s26, $0x1;
	_ =	strace $0x80000046;
	[dreg:$0x1] =	wrdreg $0xFFFFFFFF  }
0xad: {  	s28 =	simm.s32 $_size_execute0_lowered;
	s4 =	sadd.s32 s4, s6;
	[dreg:$0x0] =	wrdreg $0x0  }
0xae: {  	s6 =	sshll.u32 s28, $0x1;
	[dreg:$0x2] =	wrdreg s4  }
0xaf: {  	[dreg:$0x3] =	wrdreg s6  }
0xb0: {  	[dreg:$0x4] =	wrdreg $0xC0  }
0xb1: {  	_ =	task [dreg:s8], $0x5FFFF  }
0xb2: {  	[dreg:$0x1] =	wrdreg $0xFFFFFFFF  }
0xb3: {  	[dreg:$0x0] =	wrdreg $0x60  }
0xb4: {  	[dreg:$0x2] =	wrdreg s24  }
0xb5: {  	[dreg:$0x3] =	wrdreg s17  }
0xb6: {  	[dreg:$0x4] =	wrdreg s16  }
0xb7: {  	[dreg:$0x5] =	wrdreg $0x9  }
0xb8: {  	_ =	task.clear_ibuf [dreg:s8], $0x6FFFF;
	_ =	strace $0x90000046  }
0xb9: {  	s29 =	simm.s32 $0x9;
	_ =	strace $0x80000048  }
0xba: {  	_ =	swait.ge [sflag:s29], $0x1  }
0xbb: {  	[sflag:s29] =	ssyncadd.s32 $0xFFFFFFFF  }
0xbc: {  	_ =	strace $0x90000048  }
0xbd: {  	_ =	sfence  }
0xbe: {  	s30 =	sld [smem:$0x0];
	_ =	sdelay $0x2  }
0xbf: {  	s31 =	sshll.u32 s1, $0xD;
	s1 =	sshrl.u32 s1, $0x2  }
0xc0: {  	s3 =	sand.u32 $0x4000, s31;
	s1 =	sadd.s32 s1, s30  }
0xc1: {  	s0 =	sor.u32 s3, s0;
	s1 =	sshll.u32 s1, $0x11  }
0xc2: {  	s0 =	sor.u32 s1, s0  }
0xc3: {  	s0 =	sadd.s32 $0x8F2B, s0  }
0xc4: {  	[sflag:s0] =	ssyncadd.remote.s32 $0x1  }
0xc5: {  	_ =	sfence.sel $0xFFFF  }
0xc6: {  	[dreg:$0x0] =	wrdreg $0xFFFFFFFF;
	(pc) =	sbr.abs _section_cstart, $3  }
0xc7: {  	[dreg:$0x1] =	wrdreg $0xFFFFFFFF  }
0xc8: {  	_ =	task.clear_ibuf [dreg:s8], $0x2FFFF;
	_ =	strace $0x9FFFFFFF  }
0xc9: {  	(tm) =	ssettm $0x7FFFFFFF  }
tec
execute0_lowered:
.L_overlay_start_1:
0x0: {  	(tag) =	ssettag $0x1  }
0x1: {  	s1 =	rddreg [dreg:$0x0]  }
0x2: {  	s4 =	rddreg [dreg:$0x1]  }
0x3: {  	s2 =	srdreg.scid;
	s0 =	stileid.u32  }
0x4: {  	s5 =	rddreg [dreg:$0x2];
	s3 =	simm.s32 $0x0;
	s10 =	simm.s32 $0x4200  }
0x5: {  	s11 =	simm.s32 $0x1;
	s6 =	sand.u32 $0x1, s2;
	s2 =	rddreg [dreg:$0x3]  }
0x6: {  	s12 =	simm.s32 $0x0;
	s7 =	sshll.u32 s0, $0x1;
	[smem:$0x7FF] =	sst s3  }
0x7: {  	s7 =	sor.u32 s6, s7;
	s6 =	ssub.s32 $0x2, s6;
	_ =	strace $0x80000047  }
0x8: {  	s8 =	sshll.u32 s7, $0xA;
	s9 =	sshrl.u32 s6, $0x1;
	s31 =	sshll.u32 s7, $0x6  }
0x9: {  	s7 =	sshll.u32 s7, $0xB;
	s8 =	sadd.s32 s8, s1;
	s9 =	ssub.s32 s6, s9  }
0xa: {  	s4 =	sadd.s32 s4, s31;
	s5 =	sadd.s32 s5, s7;
	s6 =	sadd.s32 $0x8000, s8  }
0xb: {  	v0 =	vimm.f32 $0.0e+00;
	v1 =	vimm.f32 $1.000000000e+00;
	s7 =	smax.u32 s9, $0x1;
	s8 =	simm.s32 $0x2;
	s9 =	simm.s32 $0x200  }
.LBB2_1:
0xc: {  	[tilespmem:s3], [sflag:$0x2] =	stream.linear.gather [hbm4b:s4+s3], $0x200, $0x38;
	[tilespmem:$0x6200] =	vst v63  }
0xd: {  	_ =	swait.ge [sflag:s8], $0x200  }
0xe: {  	[sflag:s8] =	ssyncset.done $0x0  }
0xf: {  	s13 =	simm.s32 $0x40;
	s14 =	simm.s32 $0x0;
	[sflag:s8] =	ssyncadd.s32 $0xFFFFFE00  }
0x10: {  	[tilespmem:s9], [sflag:$0x1] =	stream.indirect.gather [hbm4b:s1+s9], $0x20, s3, s9, $0xb8;
	[tilespmem:$0x6200] =	vst v63  }
.LBB2_2:
0x11: {  	p0 =	sne.s32 s13, $0x7FC0;
	[tilespmem:s14+$0x4200] =	vst v0;
	s14 =	smov.u32 s13;
	s13 =	sadd.s32 $0x40, s13  }
.Ltmp0:
0x12: {  	(pc) =	sbr.rel @p0 .LBB2_2-.Ltmp0, $2  }
0x13: {  	_ =	sdelay $0x2  }
0x14: {  	s14 =	sshra.s32 s14, $0x2  }
0x15: {  	[tilespmem:s14+$0x4200] =	vst v0  }
0x16: {  	v2 =	vld [tilespmem:$0x0];
	_ =	sdelay $0x7  }
0x17: {  	[tilespmem:v2+s10+$0x0] =	vst.idx.add.f32.msk $0xffff, v1  }
0x18: {  	v2 =	vld [tilespmem:$0x10];
	_ =	sdelay $0x7  }
0x19: {  	[tilespmem:v2+s10+$0x0] =	vst.idx.add.f32.msk $0xffff, v1  }
0x1a: {  	v2 =	vld [tilespmem:$0x20];
	_ =	sdelay $0x7  }
0x1b: {  	[tilespmem:v2+s10+$0x0] =	vst.idx.add.f32.msk $0xffff, v1  }
0x1c: {  	v2 =	vld [tilespmem:$0x30];
	_ =	sdelay $0x7  }
0x1d: {  	[tilespmem:v2+s10+$0x0] =	vst.idx.add.f32.msk $0xffff, v1  }
0x1e: {  	v2 =	vld [tilespmem:$0x40];
	_ =	sdelay $0x7  }
0x1f: {  	[tilespmem:v2+s10+$0x0] =	vst.idx.add.f32.msk $0xffff, v1  }
0x20: {  	v2 =	vld [tilespmem:$0x50];
	_ =	sdelay $0x7  }
0x21: {  	[tilespmem:v2+s10+$0x0] =	vst.idx.add.f32.msk $0xffff, v1  }
0x22: {  	v2 =	vld [tilespmem:$0x60];
	_ =	sdelay $0x7  }
0x23: {  	[tilespmem:v2+s10+$0x0] =	vst.idx.add.f32.msk $0xffff, v1  }
0x24: {  	v2 =	vld [tilespmem:$0x70];
	_ =	sdelay $0x7  }
0x25: {  	[tilespmem:v2+s10+$0x0] =	vst.idx.add.f32.msk $0xffff, v1  }
0x26: {  	v2 =	vld [tilespmem:$0x80];
	_ =	sdelay $0x7  }
0x27: {  	[tilespmem:v2+s10+$0x0] =	vst.idx.add.f32.msk $0xffff, v1  }
0x28: {  	v2 =	vld [tilespmem:$0x90];
	_ =	sdelay $0x7  }
0x29: {  	[tilespmem:v2+s10+$0x0] =	vst.idx.add.f32.msk $0xffff, v1  }
0x2a: {  	v2 =	vld [tilespmem:$0xA0];
	_ =	sdelay $0x7  }
0x2b: {  	[tilespmem:v2+s10+$0x0] =	vst.idx.add.f32.msk $0xffff, v1  }
0x2c: {  	v2 =	vld [tilespmem:$0xB0];
	_ =	sdelay $0x7  }
0x2d: {  	[tilespmem:v2+s10+$0x0] =	vst.idx.add.f32.msk $0xffff, v1  }
0x2e: {  	v2 =	vld [tilespmem:$0xC0];
	_ =	sdelay $0x7  }
0x2f: {  	[tilespmem:v2+s10+$0x0] =	vst.idx.add.f32.msk $0xffff, v1  }
0x30: {  	v2 =	vld [tilespmem:$0xD0];
	_ =	sdelay $0x7  }
0x31: {  	[tilespmem:v2+s10+$0x0] =	vst.idx.add.f32.msk $0xffff, v1  }
0x32: {  	v2 =	vld [tilespmem:$0xE0];
	_ =	sdelay $0x7  }
0x33: {  	[tilespmem:v2+s10+$0x0] =	vst.idx.add.f32.msk $0xffff, v1  }
0x34: {  	v2 =	vld [tilespmem:$0xF0];
	_ =	sdelay $0x7  }
0x35: {  	[tilespmem:v2+s10+$0x0] =	vst.idx.add.f32.msk $0xffff, v1  }
0x36: {  	v2 =	vld [tilespmem:$0x100];
	_ =	sdelay $0x7  }
0x37: {  	[tilespmem:v2+s10+$0x0] =	vst.idx.add.f32.msk $0xffff, v1  }
0x38: {  	v2 =	vld [tilespmem:$0x110];
	_ =	sdelay $0x7  }
0x39: {  	[tilespmem:v2+s10+$0x0] =	vst.idx.add.f32.msk $0xffff, v1  }
0x3a: {  	v2 =	vld [tilespmem:$0x120];
	_ =	sdelay $0x7  }
0x3b: {  	[tilespmem:v2+s10+$0x0] =	vst.idx.add.f32.msk $0xffff, v1  }
0x3c: {  	v2 =	vld [tilespmem:$0x130];
	_ =	sdelay $0x7  }
0x3d: {  	[tilespmem:v2+s10+$0x0] =	vst.idx.add.f32.msk $0xffff, v1  }
0x3e: {  	v2 =	vld [tilespmem:$0x140];
	_ =	sdelay $0x7  }
0x3f: {  	[tilespmem:v2+s10+$0x0] =	vst.idx.add.f32.msk $0xffff, v1  }
0x40: {  	v2 =	vld [tilespmem:$0x150];
	_ =	sdelay $0x7  }
0x41: {  	[tilespmem:v2+s10+$0x0] =	vst.idx.add.f32.msk $0xffff, v1  }
0x42: {  	v2 =	vld [tilespmem:$0x160];
	_ =	sdelay $0x7  }
0x43: {  	[tilespmem:v2+s10+$0x0] =	vst.idx.add.f32.msk $0xffff, v1  }
0x44: {  	v2 =	vld [tilespmem:$0x170];
	_ =	sdelay $0x7  }
0x45: {  	[tilespmem:v2+s10+$0x0] =	vst.idx.add.f32.msk $0xffff, v1  }
0x46: {  	v2 =	vld [tilespmem:$0x180];
	_ =	sdelay $0x7  }
0x47: {  	[tilespmem:v2+s10+$0x0] =	vst.idx.add.f32.msk $0xffff, v1  }
0x48: {  	v2 =	vld [tilespmem:$0x190];
	_ =	sdelay $0x7  }
0x49: {  	[tilespmem:v2+s10+$0x0] =	vst.idx.add.f32.msk $0xffff, v1  }
0x4a: {  	v2 =	vld [tilespmem:$0x1A0];
	_ =	sdelay $0x7  }
0x4b: {  	[tilespmem:v2+s10+$0x0] =	vst.idx.add.f32.msk $0xffff, v1  }
0x4c: {  	v2 =	vld [tilespmem:$0x1B0];
	_ =	sdelay $0x7  }
0x4d: {  	[tilespmem:v2+s10+$0x0] =	vst.idx.add.f32.msk $0xffff, v1  }
0x4e: {  	v2 =	vld [tilespmem:$0x1C0];
	_ =	sdelay $0x7  }
0x4f: {  	[tilespmem:v2+s10+$0x0] =	vst.idx.add.f32.msk $0xffff, v1  }
0x50: {  	v2 =	vld [tilespmem:$0x1D0];
	_ =	sdelay $0x7  }
0x51: {  	[tilespmem:v2+s10+$0x0] =	vst.idx.add.f32.msk $0xffff, v1  }
0x52: {  	v2 =	vld [tilespmem:$0x1E0];
	_ =	sdelay $0x7  }
0x53: {  	[tilespmem:v2+s10+$0x0] =	vst.idx.add.f32.msk $0xffff, v1  }
0x54: {  	v2 =	vld [tilespmem:$0x1F0];
	_ =	sdelay $0x7  }
0x55: {  	[tilespmem:v2+s10+$0x0] =	vst.idx.add.f32.msk $0xffff, v1  }
0x56: {  	_ =	swait.ge [sflag:s11], $0x4000  }
0x57: {  	[sflag:s11] =	ssyncset.done $0x0  }
0x58: {  	[sflag:s11] =	ssyncadd.s32 $0xFFFFC000  }
0x59: {  	[hbm4b:s5+s3] =	stream.linear.scatter [tilespmem:s9], [sflag:$0x2], $0x4000, $0x38;
	[tilespmem:$0x6200] =	vst v63  }
0x5a: {  	s12 =	sadd.s32 $0x1, s12;
	_ =	swait.ge [sflag:s8], $0x4000  }
0x5b: {  	p0 =	sne.s32 s12, s7;
	[sflag:s8] =	ssyncset.done $0x0  }
.Ltmp1:
0x5c: {  	[sflag:s8] =	ssyncadd.s32 $0xFFFFC000;
	(pc) =	sbr.rel @p0 .LBB2_1-.Ltmp1, $4  }
0x5d: {  	[hbm4b:s6+s3] =	stream.linear.scatter [tilespmem:s10], [sflag:$0x2], $0x2000, $0x38;
	[tilespmem:$0x6200] =	vst v63  }
0x5e: {  	_ =	swait.ge [sflag:s8], $0x2000  }
0x5f: {  	[sflag:s8] =	ssyncset.done $0x0  }
0x60: {  	[sflag:s8] =	ssyncadd.s32 $0xFFFFE000  }
0x61: {  	_ =	sfence.sel $0x180000  }
0x62: {  	[bflag:$0x0] =	sbarrier.arrive $0xFFFF  }
0x63: {  	p0 =	sne.s32 s0, $0x0;
	_ =	strace $0x90000047  }
0x64: {  	s0 =	sadd.s32 @!p0 $0x100000, s2;
	[bflag:$0x2] =	sbarrier.arrive $0xFFFF  }
0x65: {  	[sflag:s0] =	ssyncadd.tile.s32 @!p0 $0x1;
	_ =	shalt  }
.Lfunc_end2:
_tile_overlayer_lowered:
.L_overlay_start_2:
0x66: {  	(tag) =	ssettag $0x2  }
0x67: {  	s0 =	rddreg [dreg:$0x0];
	s2 =	stileid.u32  }
0x68: {  	s1 =	rddreg [dreg:$0x1];
	p0 =	sne.s32 s2, $0x0  }
0x69: {  	s3 =	rddreg [dreg:$0x2];
	[bflag:$0x3] =	sbarrier.arrive $0xFFFF;
	s2 =	simm.s32 @!p0 $0x1C02  }
0x6a: {  	[timem:s3], [sflag:s2] =	dma.local @!p0 [hbm:s0], s1  }
0x6b: {  	s0 =	simm.s32 @!p0 $0x2  }
0x6c: {  	_ =	swait.ge @!p0 [sflag:s0], s1  }
0x6d: {  	s1 =	ssub.s32 @!p0 $0x0, s1;
	[sflag:s0] =	ssyncset.done @!p0 $0x0  }
0x6e: {  	[sflag:s0] =	ssyncadd.s32 @!p0 s1  }
0x6f: {  	[bflag:$0x3] =	sbarrier.arrive $0xFFFF  }
0x70: {  	_ =	shalt  }

</sc_bundles>
